<compile_context>
chip_gen: v7x
topology: tpu7x:2x2x1
jax: 0.10.2.dev20260603
libtpu: 0.0.44.dev20260713+nightly
codegen_flags: <defaults>
</compile_context>

<pallas_src>
import functools

import jax
import jax.numpy as jnp
from jax import lax
from jax.experimental import pallas as pl
from jax.experimental.pallas import tpu as pltpu
from jax.experimental.pallas import tpu_sc as plsc

K_TOPK = 64
V_REAL = 100000
V_PAD = 100352
VC = 1792
G16 = V_PAD // 16
B224 = V_PAD // 224
NGSEL = 256
CAP = NGSEL * 16
DIM = 128
Q = 1024
BIG = 3.0e38


EPS = 2.0


def _ka_body(x_ref, w_ref, dist_ref, gm_ref, dt_ref):
    j = pl.program_id(0)
    x = x_ref[...]
    w = w_ref[...]
    qn = jnp.sum(x * x, axis=1, keepdims=True)
    bn = jnp.sum(w * w, axis=1)
    dots = jax.lax.dot_general(
        x, w, (((1,), (1,)), ((), ())),
        preferred_element_type=jnp.float32,
        precision=jax.lax.Precision.HIGHEST,
    )
    dist = qn - 2.0 * dots + bn[None, :]
    col = j * VC + jax.lax.broadcasted_iota(jnp.int32, (1, VC), 1)
    dist = jnp.where(col >= V_REAL, BIG, dist)
    dist_ref[...] = dist

    dots_t = jax.lax.dot_general(
        w.astype(jnp.bfloat16), x.astype(jnp.bfloat16),
        (((1,), (1,)), ((), ())),
        preferred_element_type=jnp.float32,
    )
    dist_t = bn[:, None] - 2.0 * dots_t
    row = j * VC + jax.lax.broadcasted_iota(jnp.int32, (VC, 1), 0)
    dt_ref[...] = jnp.where(row >= V_REAL, BIG, dist_t)

    def group_min(g, _):
        v = dt_ref[pl.ds(16 * g, 16), :]
        gm_ref[pl.ds(g, 1), :] = jnp.min(v, axis=0, keepdims=True)
        return 0

    jax.lax.fori_loop(0, VC // 16, group_min, 0)


def _ka(x, w_pad):
    return pl.pallas_call(
        _ka_body,
        grid=(V_PAD // VC,),
        in_specs=[
            pl.BlockSpec((Q, DIM), lambda j: (0, 0)),
            pl.BlockSpec((VC, DIM), lambda j: (j, 0)),
        ],
        out_specs=[
            pl.BlockSpec((Q, VC), lambda j: (0, j)),
            pl.BlockSpec((VC // 16, Q), lambda j: (j, 0)),
        ],
        out_shape=[
            jax.ShapeDtypeStruct((Q, V_PAD), jnp.float32),
            jax.ShapeDtypeStruct((G16, Q), jnp.float32),
        ],
        scratch_shapes=[pltpu.VMEM((VC, Q), jnp.float32)],
    )(x, w_pad)


def _kc_body(cand_ref, out_ref, c_ref):
    c_ref[...] = cand_ref[...]
    pos = jax.lax.broadcasted_iota(jnp.int32, (CAP, Q), 0)

    def step(k, _):
        c = c_ref[...]
        m = jnp.min(c, axis=0, keepdims=True)
        out_ref[pl.ds(k, 1), :] = m
        sel = jnp.where(c == m, pos, CAP)
        first = jnp.min(sel, axis=0, keepdims=True)
        c_ref[...] = jnp.where(pos == first, BIG, c)
        return 0

    jax.lax.fori_loop(0, K_TOPK, step, 0)


def _kc(cand_t):
    return pl.pallas_call(
        _kc_body,
        out_shape=jax.ShapeDtypeStruct((K_TOPK, Q), jnp.float32),
        scratch_shapes=[pltpu.VMEM((CAP, Q), jnp.float32)],
    )(cand_t)


def kernel(x, target, proj_weight):
    del target
    w_pad = jnp.pad(proj_weight, ((0, V_PAD - V_REAL), (0, 0)))
    dist, gm16_t = _ka(x, w_pad)

    gm16 = gm16_t.T.reshape(Q, G16)
    _, gsel = jax.lax.top_k(-gm16, NGSEL)
    eidx = (gsel[:, :, None] * 16
            + jnp.arange(16, dtype=jnp.int32)[None, None, :]).reshape(Q, CAP)
    cand = jnp.take_along_axis(dist, eidx, axis=1)
    out_t = _kc(cand.T)
    return out_t.T

# --- scband reference (transcript-rebuilt; emitter-appended) ---
"""Pipeline reference for scband-top-kfaiss-softmax-14267881357590 (READ-ONLY COPY).

The authoritative reference and input builder live on the scoring server;
editing this copy changes nothing except your own understanding.
"""

import jax, jax.numpy as jnp
import numpy as np

K_TOPK = 64
VOCAB = 100000
DIM = 128
Q = 1024

def setup_inputs(seed: int = 0) -> dict:
    key = jax.random.key(seed)
    k1, k2, k3 = jax.random.split(key, 3)
    x = jax.random.normal(k1, (Q, DIM), dtype=jnp.float32)
    target = jax.random.randint(k2, (Q,), 0, VOCAB, dtype=jnp.int64)
    proj_weight = jax.random.normal(k3, (VOCAB, DIM), dtype=jnp.float32)
    return {"x": x, "target": target, "proj_weight": proj_weight}

def reference(x, target, proj_weight):
    # faiss.knn_gpu default metric is L2: returns the k smallest squared-L2
    # distances (ascending) between each query row of x and rows of proj_weight.
    # target is accepted but unused, matching the original forward.
    q_norm = jnp.sum(x * x, axis=1, keepdims=True)              # [Q, 1]
    b_norm = jnp.sum(proj_weight * proj_weight, axis=1)          # [V]
    dots = x @ proj_weight.T                                     # [Q, V] fused projection
    dist = q_norm - 2.0 * dots + b_norm[None, :]                 # squared L2 [Q, V]
    neg_topk, _ = jax.lax.top_k(-dist, K_TOPK)                   # smallest distances
    D = -neg_topk                                                # ascending order, [Q, k]
    return D

if __name__ == "__main__":
    import jax
    _d = setup_inputs()
    print(jax.jit(kernel)(*tuple(_d.values())))

</pallas_src>

<mosaic_0001>
module attributes {stable_mosaic.version = 14 : i64} {
  func.func @_ka_body(%arg0: i32, %arg1: memref<1024x128xf32, #tpu.memory_space<vmem>>, %arg2: memref<1792x128xf32, #tpu.memory_space<vmem>>, %arg3: memref<1024x1792xf32, #tpu.memory_space<vmem>>, %arg4: memref<112x1024xf32, #tpu.memory_space<vmem>>, %arg5: memref<1792x1024xf32, #tpu.memory_space<vmem>>) attributes {dimension_semantics = [#tpu.dimension_semantics<arbitrary>], iteration_bounds = array<i64: 56>, scalar_prefetch = 0 : i64, scratch_operands = 1 : i64, tpu.core_type = #tpu.core_type<tc>, window_params = [{pipeline_mode = #tpu.pipeline_mode<synchronous>, transform_indices = @transform_0, window_bounds = array<i64: 1024, 128>}, {transform_indices = @transform_1, window_bounds = array<i64: 1792, 128>}, {transform_indices = @transform_2, window_bounds = array<i64: 1024, 1792>}, {transform_indices = @transform_3, window_bounds = array<i64: 112, 1024>}]} {
    %get3A = arith.constant 0 : index
    %get3A_0 = arith.constant 0 : index
    %get3A_1 = vector.load %arg1[%get3A, %get3A_0] : memref<1024x128xf32, #tpu.memory_space<vmem>>, vector<1024x128xf32>
    %get3A_2 = arith.constant 0 : index
    %get3A_3 = arith.constant 0 : index
    %get3A_4 = vector.load %arg2[%get3A_2, %get3A_3] : memref<1792x128xf32, #tpu.memory_space<vmem>>, vector<1792x128xf32>
    %mul3A = arith.mulf %get3A_1, %get3A_1 : vector<1024x128xf32>
    %reduce_sum3A = arith.constant dense<0.000000e+00> : vector<1024xf32>
    %reduce_sum3A_5 = vector.multi_reduction <add>, %mul3A, %reduce_sum3A [1] : vector<1024x128xf32> to vector<1024xf32>
    %broadcast_in_dim3A = vector.shape_cast %reduce_sum3A_5 : vector<1024xf32> to vector<1024x1xf32>
    %mul3A_6 = arith.mulf %get3A_4, %get3A_4 : vector<1792x128xf32>
    %reduce_sum3A_7 = arith.constant dense<0.000000e+00> : vector<1792xf32>
    %reduce_sum3A_8 = vector.multi_reduction <add>, %mul3A_6, %reduce_sum3A_7 [1] : vector<1792x128xf32> to vector<1792xf32>
    %dot_general3A = arith.constant dense<0.000000e+00> : vector<1024x1792xf32>
    %dot_general3A_9 = tpu.matmul %get3A_1, %get3A_4, %dot_general3A {dimension_numbers = #tpu.dot_dimension_numbers<[1], [1], [0], [0], [0, 0, 1, 0], [], []>, precision = #tpu.contract_precision<fp32>, transpose_lhs_hint = false} : vector<1024x128xf32>, vector<1792x128xf32>, vector<1024x1792xf32> -> vector<1024x1792xf32>
    %mul3A_10 = arith.constant 2.000000e+00 : f32
    %mul3A_11 = vector.broadcast %mul3A_10 : f32 to vector<1024x1792xf32>
    %mul3A_12 = arith.mulf %mul3A_11, %dot_general3A_9 : vector<1024x1792xf32>
    %sub3A = vector.broadcast %broadcast_in_dim3A : vector<1024x1xf32> to vector<1024x1792xf32>
    %sub3A_13 = arith.subf %sub3A, %mul3A_12 : vector<1024x1792xf32>
    %broadcast_in_dim3A_14 = vector.shape_cast %reduce_sum3A_8 : vector<1792xf32> to vector<1x1792xf32>
    %add3A = vector.broadcast %broadcast_in_dim3A_14 : vector<1x1792xf32> to vector<1024x1792xf32>
    %add3A_15 = arith.addf %sub3A_13, %add3A : vector<1024x1792xf32>
    %mul3A_16 = arith.constant 1792 : i32
    %mul3A_17 = arith.muli %arg0, %mul3A_16 : i32
    %iota3A = tpu.iota {dimensions = array<i32: 1>} : vector<1x1792xi32>
    %add3A_18 = vector.broadcast %mul3A_17 : i32 to vector<1x1792xi32>
    %add3A_19 = arith.addi %add3A_18, %iota3A : vector<1x1792xi32>
    %ge3A = arith.constant 100000 : i32
    %ge3A_20 = vector.broadcast %ge3A : i32 to vector<1x1792xi32>
    %ge3A_21 = arith.cmpi sge, %add3A_19, %ge3A_20 : vector<1x1792xi32>
    %jit3A = arith.constant 3.000000e+38 : f32
    %broadcast_in_dim3A_22 = vector.shape_cast %ge3A_21 : vector<1x1792xi1> to vector<1x1792xi1>
    %broadcast_in_dim3A_23 = vector.broadcast %broadcast_in_dim3A_22 : vector<1x1792xi1> to vector<1024x1792xi1>
    %broadcast_in_dim3A_24 = vector.broadcast %jit3A : f32 to vector<1024x1792xf32>
    %select_n3A = arith.select %broadcast_in_dim3A_23, %broadcast_in_dim3A_24, %add3A_15 : vector<1024x1792xi1>, vector<1024x1792xf32>
    %swap3A = arith.constant 0 : index
    %swap3A_25 = arith.constant 0 : index
    %swap3A_26 = vector.load %arg3[%swap3A, %swap3A_25] : memref<1024x1792xf32, #tpu.memory_space<vmem>>, vector<1024x1792xf32>
    tpu.vector_store %arg3[%swap3A, %swap3A_25], %select_n3A {strides = array<i32>} : memref<1024x1792xf32, #tpu.memory_space<vmem>>, vector<1024x1792xf32>,
    %convert_element_type3A = arith.truncf %get3A_4 : vector<1792x128xf32> to vector<1792x128xbf16>
    %convert_element_type3A_27 = arith.truncf %get3A_1 : vector<1024x128xf32> to vector<1024x128xbf16>
    %dot_general3A_28 = arith.constant dense<0.000000e+00> : vector<1792x1024xf32>
    %dot_general3A_29 = tpu.matmul %convert_element_type3A, %convert_element_type3A_27, %dot_general3A_28 {dimension_numbers = #tpu.dot_dimension_numbers<[1], [1], [0], [0], [0, 0, 1, 0], [], []>, transpose_lhs_hint = false} : vector<1792x128xbf16>, vector<1024x128xbf16>, vector<1792x1024xf32> -> vector<1792x1024xf32>
    %broadcast_in_dim3A_30 = vector.shape_cast %reduce_sum3A_8 : vector<1792xf32> to vector<1792x1xf32>
    %mul3A_31 = arith.constant 2.000000e+00 : f32
    %mul3A_32 = vector.broadcast %mul3A_31 : f32 to vector<1792x1024xf32>
    %mul3A_33 = arith.mulf %mul3A_32, %dot_general3A_29 : vector<1792x1024xf32>
    %sub3A_34 = vector.broadcast %broadcast_in_dim3A_30 : vector<1792x1xf32> to vector<1792x1024xf32>
    %sub3A_35 = arith.subf %sub3A_34, %mul3A_33 : vector<1792x1024xf32>
    %mul3A_36 = arith.constant 1792 : i32
    %mul3A_37 = arith.muli %arg0, %mul3A_36 : i32
    %iota3A_38 = tpu.iota {dimensions = array<i32: 0>} : vector<1792x1xi32>
    %add3A_39 = vector.broadcast %mul3A_37 : i32 to vector<1792x1xi32>
    %add3A_40 = arith.addi %add3A_39, %iota3A_38 : vector<1792x1xi32>
    %ge3A_41 = arith.constant 100000 : i32
    %ge3A_42 = vector.broadcast %ge3A_41 : i32 to vector<1792x1xi32>
    %ge3A_43 = arith.cmpi sge, %add3A_40, %ge3A_42 : vector<1792x1xi32>
    %jit3A_44 = arith.constant 3.000000e+38 : f32
    %broadcast_in_dim3A_45 = vector.shape_cast %ge3A_43 : vector<1792x1xi1> to vector<1792x1xi1>
    %broadcast_in_dim3A_46 = vector.broadcast %broadcast_in_dim3A_45 : vector<1792x1xi1> to vector<1792x1024xi1>
    %broadcast_in_dim3A_47 = vector.broadcast %jit3A_44 : f32 to vector<1792x1024xf32>
    %select_n3A_48 = arith.select %broadcast_in_dim3A_46, %broadcast_in_dim3A_47, %sub3A_35 : vector<1792x1024xi1>, vector<1792x1024xf32>
    %swap3A_49 = arith.constant 0 : index
    %swap3A_50 = arith.constant 0 : index
    %swap3A_51 = vector.load %arg5[%swap3A_49, %swap3A_50] : memref<1792x1024xf32, #tpu.memory_space<vmem>>, vector<1792x1024xf32>
    tpu.vector_store %arg5[%swap3A_49, %swap3A_50], %select_n3A_48 {strides = array<i32>} : memref<1792x1024xf32, #tpu.memory_space<vmem>>, vector<1792x1024xf32>,
    %scan3A = arith.constant 0 : i32
    %scan3A_52 = arith.constant 112 : i32
    %scan3A_53 = arith.addi %scan3A, %scan3A_52 : i32
    %scan3A_54 = arith.constant 1 : i32
    scf.for %scan3A_56 = %scan3A to %scan3A_53 step %scan3A_54  : i32 {
      %mul3A_57 = arith.constant 16 : i32
      %mul3A_58 = arith.muli %mul3A_57, %scan3A_56 : i32
      %get3A_59 = arith.index_cast %mul3A_58 : i32 to index
      %get3A_60 = arith.constant 0 : index
      %get3A_61 = vector.load %arg5[%get3A_59, %get3A_60] : memref<1792x1024xf32, #tpu.memory_space<vmem>>, vector<16x1024xf32>
      %reduce_min3A = arith.constant dense<0x7F800000> : vector<1024xf32>
      %reduce_min3A_62 = vector.multi_reduction <minimumf>, %get3A_61, %reduce_min3A [0] : vector<16x1024xf32> to vector<1024xf32>
      %broadcast_in_dim3A_63 = vector.shape_cast %reduce_min3A_62 : vector<1024xf32> to vector<1x1024xf32>
      %swap3A_64 = arith.index_cast %scan3A_56 : i32 to index
      %swap3A_65 = arith.constant 0 : index
      %swap3A_66 = vector.load %arg4[%swap3A_64, %swap3A_65] : memref<112x1024xf32, #tpu.memory_space<vmem>>, vector<1x1024xf32>
      tpu.vector_store %arg4[%swap3A_64, %swap3A_65], %broadcast_in_dim3A_63 {strides = array<i32>} : memref<112x1024xf32, #tpu.memory_space<vmem>>, vector<1x1024xf32>,
    }
    %scan3A_55 = arith.constant 112 : i32
    return
  }
  func.func @transform_0(%arg0: i32) -> (i32, i32) {
    %c0_i32 = arith.constant 0 : i32
    %c0_i32_0 = arith.constant 0 : i32
    %c0_i32_1 = arith.constant 0 : i32
    return %c0_i32, %c0_i32_0 : i32, i32
  }
  func.func @transform_1(%arg0: i32) -> (i32, i32) {
    %c0_i32 = arith.constant 0 : i32
    %c0_i32_0 = arith.constant 0 : i32
    return %arg0, %c0_i32 : i32, i32
  }
  func.func @transform_2(%arg0: i32) -> (i32, i32) {
    %c0_i32 = arith.constant 0 : i32
    %c0_i32_0 = arith.constant 0 : i32
    return %c0_i32, %arg0 : i32, i32
  }
  func.func @transform_3(%arg0: i32) -> (i32, i32) {
    %c0_i32 = arith.constant 0 : i32
    %c0_i32_0 = arith.constant 0 : i32
    return %arg0, %c0_i32 : i32, i32
  }
}

module attributes {stable_mosaic.version = 14 : i64} {
  func.func @_kc_body(%arg0: memref<4096x1024xf32, #tpu.memory_space<vmem>>, %arg1: memref<64x1024xf32, #tpu.memory_space<vmem>>, %arg2: memref<4096x1024xf32, #tpu.memory_space<vmem>>) attributes {dimension_semantics = [], scalar_prefetch = 0 : i64, scratch_operands = 1 : i64, tpu.core_type = #tpu.core_type<tc>} {
    %get3A = arith.constant 0 : index
    %get3A_0 = arith.constant 0 : index
    %get3A_1 = vector.load %arg0[%get3A, %get3A_0] : memref<4096x1024xf32, #tpu.memory_space<vmem>>, vector<4096x1024xf32>
    %swap3A = arith.constant 0 : index
    %swap3A_2 = arith.constant 0 : index
    %swap3A_3 = vector.load %arg2[%swap3A, %swap3A_2] : memref<4096x1024xf32, #tpu.memory_space<vmem>>, vector<4096x1024xf32>
    tpu.vector_store %arg2[%swap3A, %swap3A_2], %get3A_1 {strides = array<i32>} : memref<4096x1024xf32, #tpu.memory_space<vmem>>, vector<4096x1024xf32>,
    %iota3A = tpu.iota {dimensions = array<i32: 0>} : vector<4096x1024xi32>
    %scan3A = arith.constant 0 : i32
    %scan3A_4 = arith.constant 64 : i32
    %scan3A_5 = arith.addi %scan3A, %scan3A_4 : i32
    %scan3A_6 = arith.constant 1 : i32
    scf.for %scan3A_8 = %scan3A to %scan3A_5 step %scan3A_6  : i32 {
      %get3A_9 = arith.constant 0 : index
      %get3A_10 = arith.constant 0 : index
      %get3A_11 = vector.load %arg2[%get3A_9, %get3A_10] : memref<4096x1024xf32, #tpu.memory_space<vmem>>, vector<4096x1024xf32>
      %reduce_min3A = arith.constant dense<0x7F800000> : vector<1024xf32>
      %reduce_min3A_12 = vector.multi_reduction <minimumf>, %get3A_11, %reduce_min3A [0] : vector<4096x1024xf32> to vector<1024xf32>
      %broadcast_in_dim3A = vector.shape_cast %reduce_min3A_12 : vector<1024xf32> to vector<1x1024xf32>
      %swap3A_13 = arith.index_cast %scan3A_8 : i32 to index
      %swap3A_14 = arith.constant 0 : index
      %swap3A_15 = vector.load %arg1[%swap3A_13, %swap3A_14] : memref<64x1024xf32, #tpu.memory_space<vmem>>, vector<1x1024xf32>
      tpu.vector_store %arg1[%swap3A_13, %swap3A_14], %broadcast_in_dim3A {strides = array<i32>} : memref<64x1024xf32, #tpu.memory_space<vmem>>, vector<1x1024xf32>,
      %eq3A = vector.broadcast %broadcast_in_dim3A : vector<1x1024xf32> to vector<4096x1024xf32>
      %eq3A_16 = arith.cmpf oeq, %get3A_11, %eq3A : vector<4096x1024xf32>
      %jit3A = arith.constant 4096 : i32
      %broadcast_in_dim3A_17 = vector.broadcast %jit3A : i32 to vector<4096x1024xi32>
      %select_n3A = arith.select %eq3A_16, %iota3A, %broadcast_in_dim3A_17 : vector<4096x1024xi1>, vector<4096x1024xi32>
      %reduce_min3A_18 = arith.constant dense<2147483647> : vector<1024xi32>
      %reduce_min3A_19 = vector.multi_reduction <minsi>, %select_n3A, %reduce_min3A_18 [0] : vector<4096x1024xi32> to vector<1024xi32>
      %broadcast_in_dim3A_20 = vector.shape_cast %reduce_min3A_19 : vector<1024xi32> to vector<1x1024xi32>
      %eq3A_21 = vector.broadcast %broadcast_in_dim3A_20 : vector<1x1024xi32> to vector<4096x1024xi32>
      %eq3A_22 = arith.cmpi eq, %iota3A, %eq3A_21 : vector<4096x1024xi32>
      %jit3A_23 = arith.constant 3.000000e+38 : f32
      %broadcast_in_dim3A_24 = vector.broadcast %jit3A_23 : f32 to vector<4096x1024xf32>
      %select_n3A_25 = arith.select %eq3A_22, %broadcast_in_dim3A_24, %get3A_11 : vector<4096x1024xi1>, vector<4096x1024xf32>
      %swap3A_26 = arith.constant 0 : index
      %swap3A_27 = arith.constant 0 : index
      %swap3A_28 = vector.load %arg2[%swap3A_26, %swap3A_27] : memref<4096x1024xf32, #tpu.memory_space<vmem>>, vector<4096x1024xf32>
      tpu.vector_store %arg2[%swap3A_26, %swap3A_27], %select_n3A_25 {strides = array<i32>} : memref<4096x1024xf32, #tpu.memory_space<vmem>>, vector<4096x1024xf32>,
    }
    %scan3A_7 = arith.constant 64 : i32
    return
  }
}

</mosaic_0001>

<sc_bundles>
// kernel: gather_offload_async_start
scs
__scs_entry_jumppad:
0x0: {  	(pc) =	sbr.rel $0x88, $3  }
0x1: {  	(tag) =	ssettag $0x0;
	lr =	simm.s32 $0x1  }
0x2: {  	[smem:$0x3F9F] =	sst lr;
	_ =	strace $0xD0000000  }
0x3: {  	_ = 	snop  }
0x4: {  	_ = 	snop  }
0x5: {  	_ = 	snop  }
0x6: {  	_ = 	snop  }
0x7: {  	_ = 	snop  }
__scs_overlays_trampoline_lowered:
0x8: {  	[smem:$0x3FAE] =	sst s0  }
0x9: {  	[smem:$0x3FAF] =	sst s1  }
0xa: {  	[smem:$0x3FB0] =	sst s2  }
0xb: {  	[smem:$0x3FB1] =	sst s3  }
0xc: {  	[smem:$0x3FB2] =	sst s4  }
0xd: {  	[smem:$0x3FB3] =	sst s5  }
0xe: {  	[smem:$0x3FB4] =	sst s6  }
0xf: {  	[smem:$0x3FB5] =	sst s7  }
0x10: {  	[smem:$0x3FB6] =	sst s8  }
0x11: {  	[smem:$0x3FB7] =	sst s9;
	s0 =	simm.s32 @!p0 $0x0  }
0x12: {  	s1 =	sld [smem:$0x3F9D];
	s0 =	simm.s32 @p0 $0x1  }
0x13: {  	[smem:$0x3FB8] =	sst s0;
	s0 =	simm.s32 @!p1 $0x0  }
0x14: {  	s2 =	sld [smem:$0x3F9C];
	s0 =	simm.s32 @p1 $0x1  }
0x15: {  	[smem:$0x3FB9] =	sst s0;
	s0 =	simm.s32 @!p2 $0x0  }
0x16: {  	s3 =	sld [smem:$0x3FDB];
	s0 =	simm.s32 @p2 $0x1  }
0x17: {  	s4 =	simm.s32 $0x1BF5;
	[smem:$0x3FBB] =	sst s0  }
0x18: {  	s0 =	sld [smem:$0x3F9E];
	_ =	swait.ge [sflag:s4], $0x0  }
0x19: {  	s7 =	sld [smem:$0x3F9F]  }
0x1a: {  	s8 =	sadd.s32 $0xFFFFE003, lr  }
0x1b: {  	s9 =	sadd.s32 $0xFFFFFEF7, lr;
	s5 =	simm.s32 $0xFFFFFFFF;
	p2 =	slt.u32 s8, $0xFFFFF086  }
0x1c: {  	p1 =	slt.u32 s9, $0xF7A;
	s5 =	simm.s32 @!p2 $0x0  }
0x1d: {  	s5 =	simm.s32 @p1 $0x1;
	p0 =	seq.s32 s7, s2  }
0x1e: {  	s7 =	smul.u32 @!p0 $0xF7A, s2;
	p2 =	seq.s32 @!p0 s5, $0x0  }
0x1f: {  	s9 =	smul.u32 $0xF7A, s1;
	s8 =	simm.s32 @!p0 $0x1BF5;
	p2 =	por !p2, p0  }
0x20: {  	[sflag:s8] =	ssyncset.s32 @!p0 $0xFFFFF086;
	s6 =	sadd.s32 @!p0 s3, s7;
	s7 =	simm.s32 @!p0 $0x108  }
0x21: {  	s3 =	sadd.s32 s3, s9;
	s6 =	sadd.s32 @!p0 $0x88, s6;
	s7 =	simm.s32 @p2 $0x1082  }
0x22: {  	[simem:s7], [sflag:s8] =	dma.local @!p0 [hbm:s6], $0xF7A  }
0x23: {  	s9 =	sor.u32 $0xD0000000, s2;
	s6 =	simm.s32 $0x108;
	_ =	swait.ge @!p0 [sflag:s8], $0x0  }
0x24: {  	s3 =	sadd.s32 $0x88, s3;
	s6 =	simm.s32 @!p1 $0x1082;
	[sflag:s4] =	ssyncset.s32 $0xFFFFF086  }
0x25: {  	[simem:s6], [sflag:s4] =	dma.local [hbm:s3], $0xF7A  }
0x26: {  	[smem:$0x3F9F] =	sst s1;
	(tag) =	ssettag s2;
	_ =	strace s9  }
0x27: {  	s1 =	sld [smem:$0x3FAF]  }
0x28: {  	s2 =	sld [smem:$0x3FB0]  }
0x29: {  	s4 =	sld [smem:$0x3FB2]  }
0x2a: {  	p0 =	seq.s32 s5, $0x0;
	s5 =	sld [smem:$0x3FB3]  }
0x2b: {  	s6 =	sld [smem:$0x3FB4]  }
0x2c: {  	s7 =	sld [smem:$0x3FB5]  }
0x2d: {  	s3 =	simm.s32 $0x108;
	s8 =	sld [smem:$0x3FB6]  }
0x2e: {  	s3 =	simm.s32 @!p0 $0x1082;
	s9 =	sld [smem:$0x3FB7]  }
0x2f: {  	lr =	sadd.s32 s0, s3;
	s0 =	sld [smem:$0x3FAE]  }
0x30: {  	s3 =	sld [smem:$0x3FB1]  }
0x31: {  	[smem:$0x3FBA] =	sst s10  }
0x32: {  	s10 =	sld [smem:$0x3FB8];
	_ =	sdelay $0x3  }
0x33: {  	p0 =	seq.s32 s10, $0x1;
	s10 =	sld [smem:$0x3FBA];
	_ =	sdelay $0x3  }
0x34: {  	[smem:$0x3FBA] =	sst s10  }
0x35: {  	s10 =	sld [smem:$0x3FB9];
	_ =	sdelay $0x3  }
0x36: {  	p1 =	seq.s32 s10, $0x1;
	s10 =	sld [smem:$0x3FBA];
	_ =	sdelay $0x3  }
0x37: {  	[smem:$0x3FBA] =	sst s10  }
0x38: {  	s10 =	sld [smem:$0x3FBB]  }
0x39: {  	_ = 	snop;
	(pc) =	sbr.ind lr, $3  }
0x3a: {  	_ = 	snop  }
0x3b: {  	_ = 	snop  }
0x3c: {  	p2 =	seq.s32 s10, $0x1;
	s10 =	sld [smem:$0x3FBA]  }
0x3d: {  	_ =	shalt  }
0x3e: {  	_ =	shalt  }
0x3f: {  	_ =	shalt  }
0x40: {  	_ =	shalt  }
0x41: {  	_ =	shalt  }
0x42: {  	_ =	shalt  }
0x43: {  	_ =	shalt  }
0x44: {  	_ =	shalt  }
0x45: {  	_ =	shalt  }
0x46: {  	_ =	shalt  }
0x47: {  	_ =	shalt  }
0x48: {  	_ =	shalt  }
0x49: {  	_ =	shalt  }
0x4a: {  	_ =	shalt  }
0x4b: {  	_ =	shalt  }
0x4c: {  	_ =	shalt  }
0x4d: {  	_ =	shalt  }
0x4e: {  	_ =	shalt  }
0x4f: {  	_ =	shalt  }
0x50: {  	_ =	shalt  }
0x51: {  	_ =	shalt  }
0x52: {  	_ =	shalt  }
0x53: {  	_ =	shalt  }
0x54: {  	_ =	shalt  }
0x55: {  	_ =	shalt  }
0x56: {  	_ =	shalt  }
0x57: {  	_ =	shalt  }
0x58: {  	_ =	shalt  }
0x59: {  	_ =	shalt  }
0x5a: {  	_ =	shalt  }
0x5b: {  	_ =	shalt  }
0x5c: {  	_ =	shalt  }
0x5d: {  	_ =	shalt  }
0x5e: {  	_ =	shalt  }
0x5f: {  	_ =	shalt  }
0x60: {  	_ =	shalt  }
0x61: {  	_ =	shalt  }
0x62: {  	_ =	shalt  }
0x63: {  	_ =	shalt  }
0x64: {  	_ =	shalt  }
0x65: {  	_ =	shalt  }
0x66: {  	_ =	shalt  }
0x67: {  	_ =	shalt  }
0x68: {  	_ =	shalt  }
0x69: {  	_ =	shalt  }
0x6a: {  	_ =	shalt  }
0x6b: {  	_ =	shalt  }
0x6c: {  	_ =	shalt  }
0x6d: {  	_ =	shalt  }
0x6e: {  	_ =	shalt  }
0x6f: {  	_ =	shalt  }
0x70: {  	_ =	shalt  }
0x71: {  	_ =	shalt  }
0x72: {  	_ =	shalt  }
0x73: {  	_ =	shalt  }
0x74: {  	_ =	shalt  }
0x75: {  	_ =	shalt  }
0x76: {  	_ =	shalt  }
0x77: {  	_ =	shalt  }
0x78: {  	_ =	shalt  }
0x79: {  	_ =	shalt  }
0x7a: {  	_ =	shalt  }
0x7b: {  	_ =	shalt  }
0x7c: {  	_ =	shalt  }
0x7d: {  	_ =	shalt  }
0x7e: {  	_ =	shalt  }
0x7f: {  	_ =	shalt  }
0x80: {  	_ =	shalt  }
0x81: {  	_ =	shalt  }
0x82: {  	_ =	shalt  }
0x83: {  	_ =	shalt  }
0x84: {  	_ =	shalt  }
0x85: {  	_ =	shalt  }
0x86: {  	_ =	shalt  }
0x87: {  	_ =	shalt  }
.Lfunc_end0:
.L_simem_size_0:
called_computation_lowered:
.L_overlay_start_0:
0x88: {  	s2 =	sld [smem:$0x3FD9]  }
0x89: {  	s3 =	sld [smem:$0x3FFE];
	_ =	sdelay $0x1  }
0x8a: {  	s1 =	srdreg.scid  }
0x8b: {  	s0 =	sand.u32 $0x1, s1  }
0x8c: {  	s16 =	sshll.u32 s0, $0xA;
	s2 =	sadd.s32 s3, s2  }
0x8d: {  	s2 =	sadd.s32 s2, s16  }
0x8e: {  	[smem:$0x3FC6] =	sst s2  }
0x8f: {  	_ = 	snop  }
0x90: {  	(tm) =	ssettm $0x1  }
0x91: {  	s17 =	sld [smem:$0x3FFB];
	_ =	sdelay $0x3  }
0x92: {  	_ =	strace s17  }
0x93: {  	s2 =	sld [smem:$0x3FFC];
	_ =	sdelay $0x3  }
0x94: {  	_ =	strace s2  }
0x95: {  	s2 =	sld [smem:$0x3FFD];
	_ =	sdelay $0x3  }
0x96: {  	_ =	strace s2  }
0x97: {  	_ =	strace $0x8FFFFFFF  }
0x98: {  	s18 =	sld [smem:$0x3FDB];
	_ =	sdelay $0x1  }
0x99: {  	s19 =	simm.s32 $_scs_section_size  }
0x9a: {  	s4 =	simm.s32 $_size__tile_overlayer_lowered;
	s5 =	simm.s32 $_tile_overlayer_lowered  }
0x9b: {  	s22 =	simm.s32 $0x1BFF;
	s21 =	sshll.u32 s5, $0x1;
	s2 =	sadd.s32 s19, s18  }
0x9c: {  	s6 =	simm.s32 $0x0;
	s20 =	sshll.u32 s4, $0x1;
	s4 =	sadd.s32 s21, s2  }
0x9d: {  	[timem:s6], [sflag:s22] =	dma.local [hbm:s4], s20  }
0x9e: {  	_ =	swait.ge [sflag:s22], s20  }
0x9f: {  	s3 =	ssub.s32 $0x0, s20;
	[sflag:s22] =	ssyncset.done $0x0  }
0xa0: {  	[sflag:s22] =	ssyncadd.s32 s3;
	_ =	sdelay $0x1  }
0xa1: {  	s23 =	simm.s32 $0x1B8B  }
0xa2: {  	_ =	swait.ge [sflag:s23], $0x1  }
0xa3: {  	[sflag:s23] =	ssyncset.done $0x0  }
0xa4: {  	s25 =	simm.s32 $0x1B8E;
	s24 =	sld [smem:$0x3FFE];
	[sflag:s23] =	ssyncadd.s32 $0xFFFFFFFF  }
0xa5: {  	s26 =	simm.s32 $execute0_lowered;
	[smem:$0x3FD2] =	sst s25  }
0xa6: {  	s4 =	sshll.u32 s26, $0x1;
	_ =	strace $0x80000046;
	[dreg:$0x1] =	wrdreg $0xFFFFFFFF  }
0xa7: {  	s28 =	simm.s32 $_size_execute0_lowered;
	s2 =	sadd.s32 s2, s4;
	[dreg:$0x0] =	wrdreg $0x0  }
0xa8: {  	s4 =	sshll.u32 s28, $0x1;
	[dreg:$0x2] =	wrdreg s2  }
0xa9: {  	[dreg:$0x3] =	wrdreg s4  }
0xaa: {  	[dreg:$0x4] =	wrdreg $0xC0  }
0xab: {  	_ =	task [dreg:s6], $0x5FFFF  }
0xac: {  	[dreg:$0x1] =	wrdreg $0xFFFFFFFF  }
0xad: {  	[dreg:$0x0] =	wrdreg $0x60  }
0xae: {  	[dreg:$0x2] =	wrdreg s24  }
0xaf: {  	[dreg:$0x3] =	wrdreg $0x9  }
0xb0: {  	_ =	task.clear_ibuf [dreg:s6], $0x4FFFF;
	_ =	strace $0x90000046  }
0xb1: {  	s29 =	simm.s32 $0x9;
	_ =	strace $0x80000048  }
0xb2: {  	_ =	swait.ge [sflag:s29], $0x1  }
0xb3: {  	[sflag:s29] =	ssyncadd.s32 $0xFFFFFFFF  }
0xb4: {  	_ =	strace $0x90000048  }
0xb5: {  	_ =	sfence  }
0xb6: {  	s30 =	sld [smem:$0x0];
	_ =	sdelay $0x2  }
0xb7: {  	s31 =	sshll.u32 s1, $0xD;
	s1 =	sshrl.u32 s1, $0x2  }
0xb8: {  	s3 =	sand.u32 $0x4000, s31;
	s1 =	sadd.s32 s1, s30  }
0xb9: {  	s0 =	sor.u32 s3, s0;
	s1 =	sshll.u32 s1, $0x11  }
0xba: {  	s0 =	sor.u32 s1, s0  }
0xbb: {  	s0 =	sadd.s32 $0x8F2B, s0  }
0xbc: {  	[sflag:s0] =	ssyncadd.remote.s32 $0x1  }
0xbd: {  	_ =	sfence.sel $0xFFFF  }
0xbe: {  	[dreg:$0x0] =	wrdreg $0xFFFFFFFF;
	(pc) =	sbr.abs _section_cstart, $3  }
0xbf: {  	[dreg:$0x1] =	wrdreg $0xFFFFFFFF  }
0xc0: {  	_ =	task.clear_ibuf [dreg:s6], $0x2FFFF;
	_ =	strace $0x9FFFFFFF  }
0xc1: {  	(tm) =	ssettm $0x7FFFFFFF  }
tec
execute0_lowered:
.L_overlay_start_1:
0x0: {  	(tag) =	ssettag $0x1  }
0x1: {  	s0 =	srdreg.scid;
	s5 =	rddreg [dreg:$0x0]  }
0x2: {  	s1 =	stileid.u32;
	s6 =	simm.s32 $0x1;
	s9 =	simm.s32 $0x1  }
0x3: {  	s10 =	simm.s32 $0x3;
	s13 =	simm.s32 $0x0;
	s2 =	sshll.u32 s0, $0xF  }
0x4: {  	s12 =	simm.s32 $0x0;
	s3 =	sshll.u32 s1, $0x10;
	s2 =	sand.u32 $0x8000, s2  }
0x5: {  	s0 =	rddreg [dreg:$0x1];
	_ =	strace $0x80000047;
	s2 =	sor.u32 s3, s2  }
0x6: {  	s4 =	sadd.s32 $0x80000, s5;
	[sflag:s6] =	ssyncpa.u1 $0x0;
	s8 =	ssub.s32 $0x400000, s2  }
.Ltmp0:
0x7: {  	s3 =	sadd.s32 $0x24C000, s5;
	s7 =	sand.u32 $0xF8000, s8;
	(pc) =	sbr.rel .LBB2_1-.Ltmp0, $4  }
0x8: {  	s5 =	sadd.s32 $0x100000, s5;
	s11 =	smov.u32 s2;
	p0 =	sne.s32 s7, $0x0  }
0x9: {  	s8 =	sshrl.u32 s8, $0x14;
	s7 =	simm.s32 $0x2;
	s9 =	simm.s32 @!p0 $0x0  }
0xa: {  	[sflag:s7] =	ssyncpa.u1 $0x0;
	p0 =	por $0x0, $0x0;
	s8 =	sadd.s32 s9, s8  }
0xb: {  	vm0 =	vmmov $0xffff;
	[sflag:s10] =	ssyncpa.u1 $0x0;
	s10 =	simm.s32 $0x0;
	s9 =	sadd.s32 $0x1, s8  }
.LBB2_4:
0xc: {  	vm1 =	veq.s32 v4, $0x80000000;
	v55 =	vand.u32 $0x3FF, v4;
	v6 =	vand.u32 $0x1FFFF, v6  }
0xd: {  	v2 =	vor.u32 v2, v5;
	v58 =	vshrl.u32 v1, $0xA;
	v59 =	vand.u32 $0x3FF, v1  }
0xe: {  	v4 =	vsel vm1, $0xFFFFFFFF, v55;
	v6 =	vsel vm1, $0xFFFFFFFF, v6;
	v2 =	vor.u32 v3, v2  }
0xf: {  	vm1 =	veq.s32 v1, $0x80000000;
	v5 =	vand.u32 $0x1FFFF, v58;
	v7 =	vshrl.u32 v4, $0x3  }
0x10: {  	v56 =	vshll.u32 v6, $0x3;
	v4 =	vshll.u32 v4, $0x7;
	v1 =	vsel vm1, $0xFFFFFFFF, v59  }
0x11: {  	v5 =	vsel vm1, $0xFFFFFFFF, v5;
	v6 =	vand.u32 $0x7F, v6;
	v7 =	vmul.u32 $0xC4000, v7  }
0x12: {  	v57 =	vand.u32 $0xFFFFFC00, v56;
	v4 =	vand.u32 $0x380, v4;
	v60 =	vshrl.u32 v1, $0x3  }
0x13: {  	v61 =	vshll.u32 v5, $0x3;
	v3 =	vadd.s32 v7, v57;
	v7 =	vmul.u32 $0xC4000, v60  }
0x14: {  	v1 =	vshll.u32 v1, $0x7;
	v3 =	vor.u32 v4, v3;
	v4 =	vand.u32 $0xFFFFFC00, v61  }
0x15: {  	v1 =	vand.u32 $0x380, v1;
	v3 =	vor.u32 v6, v3;
	v4 =	vadd.s32 v7, v4  }
0x16: {  	[tilespmem:s16], [sflag:$0x1] =	stream.indirect_vreg.gather [hbm4b:s3+s10], $0x1, v0, vm0, $0x4038;
	v62 =	vand.u32 $0x7F, v5;
	v1 =	vor.u32 v1, v4;
	v63 =	vld [tilespmem:$0x0]  }
0x17: {  	s15 =	sadd.s32 $0x10, s15;
	(ifvalue) =	ssetifvalue $0x7FFFFFFF;
	v0 =	vor.u32 v62, v1  }
0x18: {  	[tilespmem:s15], [sflag:$0x1] =	stream.indirect_vreg.gather [hbm4b:s3+s10], $0x1, v2, vm0, $0x4038;
	v63 =	vld [tilespmem:$0x0]  }
0x19: {  	s15 =	sadd.s32 $0x10, s15;
	(ifvalue) =	ssetifvalue $0x7FFFFFFF  }
0x1a: {  	[tilespmem:s15], [sflag:$0x1] =	stream.indirect_vreg.gather [hbm4b:s3+s10], $0x1, v3, vm0, $0x4038;
	v63 =	vld [tilespmem:$0x0]  }
0x1b: {  	s15 =	sadd.s32 $0x10, s15;
	(ifvalue) =	ssetifvalue $0x7FFFFFFF  }
0x1c: {  	[tilespmem:s15], [sflag:$0x1] =	stream.indirect_vreg.gather [hbm4b:s3+s10], $0x1, v0, vm0, $0x4038;
	v63 =	vld [tilespmem:$0x0]  }
0x1d: {  	_ =	swait.ge [sflag:s6], $0x8000  }
0x1e: {  	s30 =	sshrl.u32 s13, $0x3;
	[sflag:s6] =	ssyncset.done $0x0  }
0x1f: {  	s31 =	sand.u32 $0x7, s13;
	s15 =	sadd.s32 s5, s30;
	[sflag:s6] =	ssyncadd.s32 $0xFFFF8000  }
0x20: {  	[hbm4b:s15+s31] =	stream.linear.scatter [tilespmem:s14], [sflag:$0x3], $0x8000, $0x38;
	v63 =	vld [tilespmem:$0x0]  }
.LBB2_5:
0x21: {  	s15 =	sadd.s32 $0x100000, s11  }
0x22: {  	p2 =	sgt.s32 s15, $0x3FFFFF  }
0x23: {  	s15 =	smov.u32 @p2 s2;
	p2 =	sne.s32 s12, s9  }
.Ltmp1:
0x24: {  	p1 =	slt.u32 s12, $0x2;
	(pc) =	sbr.rel @!p2 .LBB2_6-.Ltmp1, $4  }
0x25: {  	s14 =	simm.s32 @!p1 $0x3  }
0x26: {  	s16 =	sadd.s32 $0x1, s12;
	_ =	swait.ge @!p1 [sflag:s14], $0x8000  }
0x27: {  	s13 =	smov.u32 s11;
	p0 =	por !p0, !p0;
	[sflag:s14] =	ssyncset.done @!p1 $0x0  }
0x28: {  	s12 =	smov.u32 s16;
	s11 =	smov.u32 s15;
	[sflag:s14] =	ssyncadd.s32 @!p1 $0xFFFF8000  }
.LBB2_1:
0x29: {  	p1 =	sge.u32 s12, s8  }
0x2a: {  	s14 =	sxor.u32 @!p1 $0xFFFFFFFF, s12  }
0x2b: {  	s31 =	sadd.s32 $0xFFFFFFFF, s12;
	s15 =	sshrl.u32 @!p1 s11, $0x3;
	s14 =	sshll.u32 @!p1 s14, $0xF  }
0x2c: {  	s16 =	sand.u32 @!p1 $0x7, s11;
	s15 =	sadd.s32 @!p1 s4, s15;
	s14 =	sand.u32 @!p1 $0x8000, s14  }
0x2d: {  	[tilespmem:s14], [sflag:$0x2] =	stream.linear.gather @!p1 [hbm4b:s15+s16], $0x8000, $0x38;
	v63 =	vld [tilespmem:$0x0]  }
0x2e: {  	p1 =	sge.u32 s31, s8  }
.Ltmp2:
0x2f: {  	_ = 	snop;
	(pc) =	sbr.rel @p1 .LBB2_5-.Ltmp2, $1  }
0x30: {  	_ =	sdelay $0x3  }
0x31: {  	s14 =	simm.s32 $0x1  }
0x32: {  	_ =	swait.ge [sflag:s7], $0x8000;
	s14 =	simm.s32 @!p0 $0x0  }
0x33: {  	[sflag:s7] =	ssyncset.done $0x0;
	s14 =	sshll.u32 s14, $0xF  }
0x34: {  	[sflag:s7] =	ssyncadd.s32 $0xFFFF8000;
	(ifvalue) =	ssetifvalue $0x7FFFFFFF;
	v0 =	vld.msk [tilespmem:s14+$0x0 ss:$0x1], $0xffff  }
0x35: {  	s15 =	sadd.s32 $0x10, s14  }
0x36: {  	v1 =	vld.msk [tilespmem:s15+$0x0 ss:$0x1], $0xffff;
	_ =	sdelay $0x2  }
0x37: {  	v2 =	vshrl.u32 v0, $0xA  }
0x38: {  	vm1 =	veq.s32 v0, $0x80000000;
	v0 =	vand.u32 $0x3FF, v0;
	v2 =	vand.u32 $0x1FFFF, v2  }
0x39: {  	v0 =	vsel vm1, $0xFFFFFFFF, v0;
	v6 =	vshrl.u32 v1, $0xA;
	v2 =	vsel vm1, $0xFFFFFFFF, v2  }
0x3a: {  	v3 =	vshrl.u32 v0, $0x3;
	v0 =	vshll.u32 v0, $0x7;
	vm1 =	veq.s32 v1, $0x80000000  }
0x3b: {  	s15 =	sadd.s32 $0x10, s15;
	v1 =	vand.u32 $0x3FF, v1;
	v4 =	vshll.u32 v2, $0x3;
	v3 =	vmul.u32 $0xC4000, v3  }
0x3c: {  	v0 =	vand.u32 $0x380, v0;
	v7 =	vand.u32 $0x7F, v2;
	v5 =	vand.u32 $0xFFFFFC00, v4;
	v4 =	vld.msk [tilespmem:s15+$0x0 ss:$0x1], $0xffff  }
0x3d: {  	v1 =	vsel vm1, $0xFFFFFFFF, v1;
	v2 =	vadd.s32 v3, v5;
	v3 =	vand.u32 $0x1FFFF, v6  }
0x3e: {  	v3 =	vsel vm1, $0xFFFFFFFF, v3;
	v0 =	vor.u32 v0, v2;
	v2 =	vshrl.u32 v1, $0x3  }
0x3f: {  	s16 =	sshll.u32 s12, $0xF;
	s18 =	simm.s32 $0x30;
	v1 =	vshll.u32 v1, $0x7;
	v5 =	vshll.u32 v3, $0x3;
	v8 =	vmul.u32 $0xC4000, v2  }
0x40: {  	s31 =	sand.u32 $0x8000, s16;
	s17 =	sadd.s32 $0x10, s15;
	s15 =	sor.u32 $0x10000, s14;
	v2 =	vand.u32 $0x380, v1;
	v0 =	vor.u32 v7, v0;
	v5 =	vand.u32 $0xFFFFFC00, v5  }
0x41: {  	s14 =	sor.u32 $0x10000, s31;
	s16 =	smov.u32 s15;
	v1 =	vld.msk [tilespmem:s17+$0x0 ss:$0x1], $0xffff;
	v3 =	vand.u32 $0x7F, v3;
	(ifvalue) =	ssetifvalue $0x7FFFFFFF;
	v6 =	vshrl.u32 v4, $0xA;
	v5 =	vadd.s32 v8, v5  }
.LBB2_3:
0x42: {  	s18 =	sadd.s32 $0x10, s18  }
0x43: {  	vm1 =	veq.s32 v4, $0x80000000;
	v4 =	vand.u32 $0x3FF, v4;
	v6 =	vand.u32 $0x1FFFF, v6;
	s15 =	sadd.s32 $0x10, s15;
	p1 =	slt.u32 s18, $0x7FF0  }
.Ltmp3:
0x44: {  	v5 =	vor.u32 v2, v5;
	v4 =	vsel vm1, $0xFFFFFFFF, v4;
	v7 =	vsel vm1, $0xFFFFFFFF, v6;
	(pc) =	sbr.rel @p1 .LBB2_3-.Ltmp3, $4  }
0x45: {  	v2 =	vshrl.u32 v4, $0x3;
	v6 =	vshll.u32 v7, $0x3;
	v4 =	vshll.u32 v4, $0x7;
	[tilespmem:s16], [sflag:$0x1] =	stream.indirect_vreg.gather [hbm4b:s3+s10], $0x1, v0, vm0, $0x4038;
	v63 =	vld [tilespmem:$0x0]  }
0x46: {  	v0 =	vor.u32 v3, v5;
	s16 =	smov.u32 s15;
	v8 =	vmul.u32 $0xC4000, v2;
	v2 =	vand.u32 $0x380, v4  }
0x47: {  	s17 =	sadd.s32 $0x10, s17;
	v9 =	vand.u32 $0xFFFFFC00, v6  }
0x48: {  	v3 =	vand.u32 $0x7F, v7;
	v6 =	vshrl.u32 v1, $0xA;
	v5 =	vadd.s32 v8, v9;
	(ifvalue) =	ssetifvalue $0x7FFFFFFF;
	v4 =	vmovc v1;
	v1 =	vld.msk [tilespmem:s17+$0x0 ss:$0x1], $0xffff  }
.Ltmp4:
0x49: {  	_ = 	snop;
	(pc) =	sbr.rel .LBB2_4-.Ltmp4, $1  }
0x4a: {  	_ =	sdelay $0x3  }
.LBB2_6:
0x4b: {  	_ =	sfence.sel $0x180000  }
0x4c: {  	s2 =	simm.s32 $0x2;
	[bflag:$0x0] =	sbarrier.arrive $0xFFFF  }
0x4d: {  	s30 =	simm.s32 $0x3;
	[sflag:s2] =	ssyncpa.u1 $0x1  }
0x4e: {  	s31 =	simm.s32 $0x1;
	[sflag:s30] =	ssyncpa.u1 $0x1  }
0x4f: {  	[sflag:s31] =	ssyncpa.u1 $0x1  }
0x50: {  	p0 =	sne.s32 s1, $0x0;
	_ =	strace $0x90000047  }
0x51: {  	s0 =	sadd.s32 @!p0 $0x100000, s0;
	[bflag:$0x2] =	sbarrier.arrive $0xFFFF  }
0x52: {  	[sflag:s0] =	ssyncadd.tile.s32 @!p0 $0x1;
	_ =	shalt  }
.Lfunc_end2:
_tile_overlayer_lowered:
.L_overlay_start_2:
0x53: {  	(tag) =	ssettag $0x2  }
0x54: {  	s0 =	rddreg [dreg:$0x0];
	s2 =	stileid.u32  }
0x55: {  	s1 =	rddreg [dreg:$0x1];
	p0 =	sne.s32 s2, $0x0  }
0x56: {  	s3 =	rddreg [dreg:$0x2];
	[bflag:$0x3] =	sbarrier.arrive $0xFFFF;
	s2 =	simm.s32 @!p0 $0x1C01  }
0x57: {  	[timem:s3], [sflag:s2] =	dma.local @!p0 [hbm:s0], s1  }
0x58: {  	s0 =	simm.s32 @!p0 $0x1  }
0x59: {  	_ =	swait.ge @!p0 [sflag:s0], s1  }
0x5a: {  	s1 =	ssub.s32 @!p0 $0x0, s1;
	[sflag:s0] =	ssyncset.done @!p0 $0x0  }
0x5b: {  	[sflag:s0] =	ssyncadd.s32 @!p0 s1  }
0x5c: {  	[bflag:$0x3] =	sbarrier.arrive $0xFFFF  }
0x5d: {  	_ =	shalt  }

</sc_bundles>
